<compile_context>
chip_gen: v7x
topology: tpu7x:2x2x1
jax: 0.10.2.dev20260603
libtpu: 0.0.44.dev20260713+nightly
codegen_flags: <defaults>
</compile_context>

<pallas_src>
import functools

import jax
import jax.numpy as jnp
from jax import lax
from jax.experimental import pallas as pl
from jax.experimental.pallas import tpu as pltpu
from jax.experimental.pallas import tpu_sc as plsc

_MAX_REL = 128
_HEAD = 64
_VOCAB = 2 * _MAX_REL + 1
_SEQ = 2048
_NPHASE = 128
_PER_PHASE = _SEQ // _NPHASE
_NW = 32
_BPW = 128
_EXT = _NW * _BPW


def _sc_build_r(emb_hbm, r_hbm, idx_v, rows_v, sem):
    wid = lax.axis_index("s") * 2 + lax.axis_index("c")
    m0 = wid * _BPW
    for c in range(_BPW // 16):
        m = m0 + c * 16 + lax.iota(jnp.int32, 16)
        idx_v[pl.ds(c * 16, 16)] = jnp.clip(2175 - m, 0, _VOCAB - 1)
    pltpu.async_copy(emb_hbm.at[idx_v], rows_v, sem).wait()
    pltpu.sync_copy(rows_v, r_hbm.at[pl.ds(m0, _BPW)])


def _tc_expand(r_ref, out_ref, rt, shifted):
    b = pl.program_id(0)

    @pl.when(b == 0)
    def _():
        rt[:] = r_ref[:, :_HEAD].T

    phase = (_NPHASE - 1) - b
    shifted[:] = pltpu.roll(rt[:], _EXT - phase, 1)
    for a in range(_PER_PHASE):
        base = (_PER_PHASE - 1 - a) * _NPHASE
        out_ref[a, 0] = shifted[:, base:base + _SEQ]


def kernel(seq_len, embedding):
    del seq_len

    sc_build = functools.partial(
        pl.kernel,
        out_type=jax.ShapeDtypeStruct((_EXT, 2 * _HEAD), jnp.float32),
        mesh=plsc.VectorSubcoreMesh(core_axis_name="c", subcore_axis_name="s"),
        scratch_types=[
            pltpu.VMEM((_BPW,), jnp.int32),
            pltpu.VMEM((_BPW, 2 * _HEAD), jnp.float32),
            pltpu.SemaphoreType.DMA,
        ],
    )(_sc_build_r)
    emb_pad = jnp.zeros((_VOCAB, 2 * _HEAD),
                        jnp.float32).at[:, :_HEAD].set(embedding)
    r = sc_build(emb_pad)

    out4 = pl.pallas_call(
        _tc_expand,
        grid=(_NPHASE,),
        in_specs=[pl.BlockSpec((_EXT, 2 * _HEAD), lambda b: (0, 0))],
        out_specs=pl.BlockSpec((_PER_PHASE, 1, _HEAD, _SEQ),
                               lambda b: (0, b, 0, 0)),
        out_shape=jax.ShapeDtypeStruct((_PER_PHASE, _NPHASE, _HEAD, _SEQ),
                                       jnp.float32),
        scratch_shapes=[pltpu.VMEM((_HEAD, _EXT), jnp.float32),
                        pltpu.VMEM((_HEAD, _EXT), jnp.float32)],
    )(r)
    out_t = out4.reshape(_SEQ, _HEAD, _SEQ)
    return jnp.transpose(out_t, (0, 2, 1))

# --- scband reference (transcript-rebuilt; emitter-appended) ---
"""Pipeline reference for scband-relative-position-embedding-48043504173238 (READ-ONLY COPY).

The authoritative reference and input builder live on the scoring server;
editing this copy changes nothing except your own understanding.
"""

import jax, jax.numpy as jnp
import numpy as np

MAX_REL = 128
HEAD_DIM = 64
VOCAB = 2 * MAX_REL + 1
SEQ_LEN = 2048

def setup_inputs(seed: int = 0) -> dict:
    key = jax.random.key(seed)
    embedding = jax.random.normal(key, (VOCAB, HEAD_DIM), dtype=jnp.float32)
    return {"seq_len": 2048, "embedding": embedding}

def reference(seq_len, embedding):
    range_vec = jnp.arange(SEQ_LEN) + (seq_len - SEQ_LEN)
    rel_pos_mat = range_vec[:, None] - range_vec[None, :]
    rel_pos_mat = jnp.clip(rel_pos_mat, -MAX_REL, MAX_REL)
    rel_pos_mat = rel_pos_mat + MAX_REL
    rel_emb = jnp.take(embedding, rel_pos_mat, axis=0)
    return rel_emb

if __name__ == "__main__":
    import jax
    _d = setup_inputs()
    print(jax.jit(kernel)(*tuple(_d.values())))

</pallas_src>

<mosaic_0001>
#map = affine_map<(d0, d1) -> (0, 0)>
module attributes {stable_mosaic.version = 14 : i64} {
  func.func @_sc_build_r(%arg0: i32, %arg1: i32, %arg2: memref<257x128xf32, #tpu.memory_space<hbm>>, %arg3: memref<4096x128xf32, #tpu.memory_space<hbm>>, %arg4: memref<128xi32, #tpu.memory_space<vmem>>, %arg5: memref<128x128xf32, #tpu.memory_space<vmem>>, %arg6: memref<!tpu.dma_semaphore, #tpu.memory_space<semaphore_mem>>) attributes {dimension_semantics = [#tpu.dimension_semantics<core_parallel>, #tpu.dimension_semantics<subcore_parallel>], iteration_bounds = array<i64: 2, 16>, scalar_prefetch = 0 : i64, scratch_operands = 3 : i64, tpu.core_type = #tpu.core_type<sc_vector_subcore>, window_params = [{transform_indices = #map}, {transform_indices = #map}]} {
    %mul3A = arith.constant 2 : i32
    %mul3A_0 = arith.muli %arg1, %mul3A : i32
    %add3A = arith.addi %mul3A_0, %arg0 : i32
    %mul3A_1 = arith.constant 128 : i32
    %mul3A_2 = arith.muli %add3A, %mul3A_1 : i32
    %add3A_3 = arith.constant 0 : i32
    %add3A_4 = arith.addi %mul3A_2, %add3A_3 : i32
    %iota3A = tpu.iota {dimensions = array<i32: 0>} : vector<16xi32>
    %add3A_5 = vector.broadcast %add3A_4 : i32 to vector<16xi32>
    %add3A_6 = arith.addi %add3A_5, %iota3A : vector<16xi32>
    %sub3A = arith.constant 2175 : i32
    %sub3A_7 = vector.broadcast %sub3A : i32 to vector<16xi32>
    %sub3A_8 = arith.subi %sub3A_7, %add3A_6 : vector<16xi32>
    %jit3A = arith.constant 0 : i32
    %jit3A_9 = arith.constant 256 : i32
    %max3A = vector.broadcast %jit3A : i32 to vector<16xi32>
    %max3A_10 = arith.maxsi %max3A, %sub3A_8 : vector<16xi32>
    %min3A = vector.broadcast %jit3A_9 : i32 to vector<16xi32>
    %min3A_11 = arith.minsi %min3A, %max3A_10 : vector<16xi32>
    %swap3A = arith.constant 0 : index
    %swap3A_12 = tpu.vector_load %arg4[%swap3A] {strides = array<i32>} : memref<128xi32, #tpu.memory_space<vmem>>, vector<16xi32>,
    %swap3A_13 = vector.shape_cast %swap3A_12 : vector<16xi32> to vector<16xi32>
    %swap3A_14 = vector.shape_cast %min3A_11 : vector<16xi32> to vector<16xi32>
    tpu.vector_store %arg4[%swap3A], %swap3A_14 {strides = array<i32>} : memref<128xi32, #tpu.memory_space<vmem>>, vector<16xi32>,
    %add3A_15 = arith.constant 16 : i32
    %add3A_16 = arith.addi %mul3A_2, %add3A_15 : i32
    %iota3A_17 = tpu.iota {dimensions = array<i32: 0>} : vector<16xi32>
    %add3A_18 = vector.broadcast %add3A_16 : i32 to vector<16xi32>
    %add3A_19 = arith.addi %add3A_18, %iota3A_17 : vector<16xi32>
    %sub3A_20 = arith.constant 2175 : i32
    %sub3A_21 = vector.broadcast %sub3A_20 : i32 to vector<16xi32>
    %sub3A_22 = arith.subi %sub3A_21, %add3A_19 : vector<16xi32>
    %jit3A_23 = arith.constant 0 : i32
    %jit3A_24 = arith.constant 256 : i32
    %max3A_25 = vector.broadcast %jit3A_23 : i32 to vector<16xi32>
    %max3A_26 = arith.maxsi %max3A_25, %sub3A_22 : vector<16xi32>
    %min3A_27 = vector.broadcast %jit3A_24 : i32 to vector<16xi32>
    %min3A_28 = arith.minsi %min3A_27, %max3A_26 : vector<16xi32>
    %swap3A_29 = arith.constant 16 : index
    %swap3A_30 = tpu.vector_load %arg4[%swap3A_29] {strides = array<i32>} : memref<128xi32, #tpu.memory_space<vmem>>, vector<16xi32>,
    %swap3A_31 = vector.shape_cast %swap3A_30 : vector<16xi32> to vector<16xi32>
    %swap3A_32 = vector.shape_cast %min3A_28 : vector<16xi32> to vector<16xi32>
    tpu.vector_store %arg4[%swap3A_29], %swap3A_32 {strides = array<i32>} : memref<128xi32, #tpu.memory_space<vmem>>, vector<16xi32>,
    %add3A_33 = arith.constant 32 : i32
    %add3A_34 = arith.addi %mul3A_2, %add3A_33 : i32
    %iota3A_35 = tpu.iota {dimensions = array<i32: 0>} : vector<16xi32>
    %add3A_36 = vector.broadcast %add3A_34 : i32 to vector<16xi32>
    %add3A_37 = arith.addi %add3A_36, %iota3A_35 : vector<16xi32>
    %sub3A_38 = arith.constant 2175 : i32
    %sub3A_39 = vector.broadcast %sub3A_38 : i32 to vector<16xi32>
    %sub3A_40 = arith.subi %sub3A_39, %add3A_37 : vector<16xi32>
    %jit3A_41 = arith.constant 0 : i32
    %jit3A_42 = arith.constant 256 : i32
    %max3A_43 = vector.broadcast %jit3A_41 : i32 to vector<16xi32>
    %max3A_44 = arith.maxsi %max3A_43, %sub3A_40 : vector<16xi32>
    %min3A_45 = vector.broadcast %jit3A_42 : i32 to vector<16xi32>
    %min3A_46 = arith.minsi %min3A_45, %max3A_44 : vector<16xi32>
    %swap3A_47 = arith.constant 32 : index
    %swap3A_48 = tpu.vector_load %arg4[%swap3A_47] {strides = array<i32>} : memref<128xi32, #tpu.memory_space<vmem>>, vector<16xi32>,
    %swap3A_49 = vector.shape_cast %swap3A_48 : vector<16xi32> to vector<16xi32>
    %swap3A_50 = vector.shape_cast %min3A_46 : vector<16xi32> to vector<16xi32>
    tpu.vector_store %arg4[%swap3A_47], %swap3A_50 {strides = array<i32>} : memref<128xi32, #tpu.memory_space<vmem>>, vector<16xi32>,
    %add3A_51 = arith.constant 48 : i32
    %add3A_52 = arith.addi %mul3A_2, %add3A_51 : i32
    %iota3A_53 = tpu.iota {dimensions = array<i32: 0>} : vector<16xi32>
    %add3A_54 = vector.broadcast %add3A_52 : i32 to vector<16xi32>
    %add3A_55 = arith.addi %add3A_54, %iota3A_53 : vector<16xi32>
    %sub3A_56 = arith.constant 2175 : i32
    %sub3A_57 = vector.broadcast %sub3A_56 : i32 to vector<16xi32>
    %sub3A_58 = arith.subi %sub3A_57, %add3A_55 : vector<16xi32>
    %jit3A_59 = arith.constant 0 : i32
    %jit3A_60 = arith.constant 256 : i32
    %max3A_61 = vector.broadcast %jit3A_59 : i32 to vector<16xi32>
    %max3A_62 = arith.maxsi %max3A_61, %sub3A_58 : vector<16xi32>
    %min3A_63 = vector.broadcast %jit3A_60 : i32 to vector<16xi32>
    %min3A_64 = arith.minsi %min3A_63, %max3A_62 : vector<16xi32>
    %swap3A_65 = arith.constant 48 : index
    %swap3A_66 = tpu.vector_load %arg4[%swap3A_65] {strides = array<i32>} : memref<128xi32, #tpu.memory_space<vmem>>, vector<16xi32>,
    %swap3A_67 = vector.shape_cast %swap3A_66 : vector<16xi32> to vector<16xi32>
    %swap3A_68 = vector.shape_cast %min3A_64 : vector<16xi32> to vector<16xi32>
    tpu.vector_store %arg4[%swap3A_65], %swap3A_68 {strides = array<i32>} : memref<128xi32, #tpu.memory_space<vmem>>, vector<16xi32>,
    %add3A_69 = arith.constant 64 : i32
    %add3A_70 = arith.addi %mul3A_2, %add3A_69 : i32
    %iota3A_71 = tpu.iota {dimensions = array<i32: 0>} : vector<16xi32>
    %add3A_72 = vector.broadcast %add3A_70 : i32 to vector<16xi32>
    %add3A_73 = arith.addi %add3A_72, %iota3A_71 : vector<16xi32>
    %sub3A_74 = arith.constant 2175 : i32
    %sub3A_75 = vector.broadcast %sub3A_74 : i32 to vector<16xi32>
    %sub3A_76 = arith.subi %sub3A_75, %add3A_73 : vector<16xi32>
    %jit3A_77 = arith.constant 0 : i32
    %jit3A_78 = arith.constant 256 : i32
    %max3A_79 = vector.broadcast %jit3A_77 : i32 to vector<16xi32>
    %max3A_80 = arith.maxsi %max3A_79, %sub3A_76 : vector<16xi32>
    %min3A_81 = vector.broadcast %jit3A_78 : i32 to vector<16xi32>
    %min3A_82 = arith.minsi %min3A_81, %max3A_80 : vector<16xi32>
    %swap3A_83 = arith.constant 64 : index
    %swap3A_84 = tpu.vector_load %arg4[%swap3A_83] {strides = array<i32>} : memref<128xi32, #tpu.memory_space<vmem>>, vector<16xi32>,
    %swap3A_85 = vector.shape_cast %swap3A_84 : vector<16xi32> to vector<16xi32>
    %swap3A_86 = vector.shape_cast %min3A_82 : vector<16xi32> to vector<16xi32>
    tpu.vector_store %arg4[%swap3A_83], %swap3A_86 {strides = array<i32>} : memref<128xi32, #tpu.memory_space<vmem>>, vector<16xi32>,
    %add3A_87 = arith.constant 80 : i32
    %add3A_88 = arith.addi %mul3A_2, %add3A_87 : i32
    %iota3A_89 = tpu.iota {dimensions = array<i32: 0>} : vector<16xi32>
    %add3A_90 = vector.broadcast %add3A_88 : i32 to vector<16xi32>
    %add3A_91 = arith.addi %add3A_90, %iota3A_89 : vector<16xi32>
    %sub3A_92 = arith.constant 2175 : i32
    %sub3A_93 = vector.broadcast %sub3A_92 : i32 to vector<16xi32>
    %sub3A_94 = arith.subi %sub3A_93, %add3A_91 : vector<16xi32>
    %jit3A_95 = arith.constant 0 : i32
    %jit3A_96 = arith.constant 256 : i32
    %max3A_97 = vector.broadcast %jit3A_95 : i32 to vector<16xi32>
    %max3A_98 = arith.maxsi %max3A_97, %sub3A_94 : vector<16xi32>
    %min3A_99 = vector.broadcast %jit3A_96 : i32 to vector<16xi32>
    %min3A_100 = arith.minsi %min3A_99, %max3A_98 : vector<16xi32>
    %swap3A_101 = arith.constant 80 : index
    %swap3A_102 = tpu.vector_load %arg4[%swap3A_101] {strides = array<i32>} : memref<128xi32, #tpu.memory_space<vmem>>, vector<16xi32>,
    %swap3A_103 = vector.shape_cast %swap3A_102 : vector<16xi32> to vector<16xi32>
    %swap3A_104 = vector.shape_cast %min3A_100 : vector<16xi32> to vector<16xi32>
    tpu.vector_store %arg4[%swap3A_101], %swap3A_104 {strides = array<i32>} : memref<128xi32, #tpu.memory_space<vmem>>, vector<16xi32>,
    %add3A_105 = arith.constant 96 : i32
    %add3A_106 = arith.addi %mul3A_2, %add3A_105 : i32
    %iota3A_107 = tpu.iota {dimensions = array<i32: 0>} : vector<16xi32>
    %add3A_108 = vector.broadcast %add3A_106 : i32 to vector<16xi32>
    %add3A_109 = arith.addi %add3A_108, %iota3A_107 : vector<16xi32>
    %sub3A_110 = arith.constant 2175 : i32
    %sub3A_111 = vector.broadcast %sub3A_110 : i32 to vector<16xi32>
    %sub3A_112 = arith.subi %sub3A_111, %add3A_109 : vector<16xi32>
    %jit3A_113 = arith.constant 0 : i32
    %jit3A_114 = arith.constant 256 : i32
    %max3A_115 = vector.broadcast %jit3A_113 : i32 to vector<16xi32>
    %max3A_116 = arith.maxsi %max3A_115, %sub3A_112 : vector<16xi32>
    %min3A_117 = vector.broadcast %jit3A_114 : i32 to vector<16xi32>
    %min3A_118 = arith.minsi %min3A_117, %max3A_116 : vector<16xi32>
    %swap3A_119 = arith.constant 96 : index
    %swap3A_120 = tpu.vector_load %arg4[%swap3A_119] {strides = array<i32>} : memref<128xi32, #tpu.memory_space<vmem>>, vector<16xi32>,
    %swap3A_121 = vector.shape_cast %swap3A_120 : vector<16xi32> to vector<16xi32>
    %swap3A_122 = vector.shape_cast %min3A_118 : vector<16xi32> to vector<16xi32>
    tpu.vector_store %arg4[%swap3A_119], %swap3A_122 {strides = array<i32>} : memref<128xi32, #tpu.memory_space<vmem>>, vector<16xi32>,
    %add3A_123 = arith.constant 112 : i32
    %add3A_124 = arith.addi %mul3A_2, %add3A_123 : i32
    %iota3A_125 = tpu.iota {dimensions = array<i32: 0>} : vector<16xi32>
    %add3A_126 = vector.broadcast %add3A_124 : i32 to vector<16xi32>
    %add3A_127 = arith.addi %add3A_126, %iota3A_125 : vector<16xi32>
    %sub3A_128 = arith.constant 2175 : i32
    %sub3A_129 = vector.broadcast %sub3A_128 : i32 to vector<16xi32>
    %sub3A_130 = arith.subi %sub3A_129, %add3A_127 : vector<16xi32>
    %jit3A_131 = arith.constant 0 : i32
    %jit3A_132 = arith.constant 256 : i32
    %max3A_133 = vector.broadcast %jit3A_131 : i32 to vector<16xi32>
    %max3A_134 = arith.maxsi %max3A_133, %sub3A_130 : vector<16xi32>
    %min3A_135 = vector.broadcast %jit3A_132 : i32 to vector<16xi32>
    %min3A_136 = arith.minsi %min3A_135, %max3A_134 : vector<16xi32>
    %swap3A_137 = arith.constant 112 : index
    %swap3A_138 = tpu.vector_load %arg4[%swap3A_137] {strides = array<i32>} : memref<128xi32, #tpu.memory_space<vmem>>, vector<16xi32>,
    %swap3A_139 = vector.shape_cast %swap3A_138 : vector<16xi32> to vector<16xi32>
    %swap3A_140 = vector.shape_cast %min3A_136 : vector<16xi32> to vector<16xi32>
    tpu.vector_store %arg4[%swap3A_137], %swap3A_140 {strides = array<i32>} : memref<128xi32, #tpu.memory_space<vmem>>, vector<16xi32>,
    %dma_start3A = arith.constant 0 : i32
    %dma_start3A_141 = arith.constant 0 : i32
    %dma_start3A_142 = tpu.memref_slice %arg2[%dma_start3A, %dma_start3A_141] : memref<257x128xf32, #tpu.memory_space<hbm>> -> memref<257x128xf32, #tpu.memory_space<hbm>>
    tpu.enqueue_indirect_dma source(%dma_start3A_142 : memref<257x128xf32, #tpu.memory_space<hbm>>) target(%arg5 : memref<128x128xf32, #tpu.memory_space<vmem>>) offsets(%arg4 : memref<128xi32, #tpu.memory_space<vmem>>) semaphore(%arg6 : memref<!tpu.dma_semaphore, #tpu.memory_space<semaphore_mem>>)
    %dma_wait3A = arith.constant 0 : i32
    %dma_wait3A_143 = arith.constant 0 : i32
    %dma_wait3A_144 = tpu.memref_slice %arg2[%dma_wait3A, %dma_wait3A_143] : memref<257x128xf32, #tpu.memory_space<hbm>> -> memref<257x128xf32, #tpu.memory_space<hbm>>
    tpu.wait_indirect_dma semaphore(%arg6 : memref<!tpu.dma_semaphore, #tpu.memory_space<semaphore_mem>>) src(%dma_wait3A_144 : memref<257x128xf32, #tpu.memory_space<hbm>>) dst(%arg5 : memref<128x128xf32, #tpu.memory_space<vmem>>)
    "tpu.region"() ({
      %run_scoped3A = tpu.sem_alloc : memref<!tpu.dma_semaphore, #tpu.memory_space<semaphore_mem>>
      %dma_start3A_145 = arith.constant 0 : i32
      %dma_start3A_146 = tpu.memref_slice %arg3[%mul3A_2, %dma_start3A_145] : memref<4096x128xf32, #tpu.memory_space<hbm>> -> memref<128x128xf32, #tpu.memory_space<hbm>>
      %dma_start3A_147 = arith.constant 0 : i32
      %dma_start3A_148 = tpu.memref_slice %arg3[%mul3A_2, %dma_start3A_147] : memref<4096x128xf32, #tpu.memory_space<hbm>> -> memref<128x128xf32, #tpu.memory_space<hbm>>
      tpu.enqueue_dma source(%arg5 : memref<128x128xf32, #tpu.memory_space<vmem>>) target(%dma_start3A_148 : memref<128x128xf32, #tpu.memory_space<hbm>>) target_semaphore(%run_scoped3A : memref<!tpu.dma_semaphore, #tpu.memory_space<semaphore_mem>>)
      %dma_wait3A_149 = arith.constant 0 : i32
      %dma_wait3A_150 = tpu.memref_slice %arg3[%mul3A_2, %dma_wait3A_149] : memref<4096x128xf32, #tpu.memory_space<hbm>> -> memref<128x128xf32, #tpu.memory_space<hbm>>
      %dma_wait3A_151 = arith.constant 0 : i32
      %dma_wait3A_152 = tpu.memref_slice %arg3[%mul3A_2, %dma_wait3A_151] : memref<4096x128xf32, #tpu.memory_space<hbm>> -> memref<128x128xf32, #tpu.memory_space<hbm>>
      tpu.wait_dma2 semaphore(%run_scoped3A : memref<!tpu.dma_semaphore, #tpu.memory_space<semaphore_mem>>) src(%arg5 : memref<128x128xf32, #tpu.memory_space<vmem>>) dst(%dma_wait3A_152 : memref<128x128xf32, #tpu.memory_space<hbm>>)
      tpu.yield
    }) : () -> ()
    return
  }
}

module attributes {stable_mosaic.version = 14 : i64} {
  func.func @_tc_expand(%arg0: i32, %arg1: memref<4096x128xf32, #tpu.memory_space<vmem>>, %arg2: memref<16x1x64x2048xf32, #tpu.memory_space<vmem>>, %arg3: memref<64x4096xf32, #tpu.memory_space<vmem>>, %arg4: memref<64x4096xf32, #tpu.memory_space<vmem>>) attributes {dimension_semantics = [#tpu.dimension_semantics<arbitrary>], iteration_bounds = array<i64: 128>, scalar_prefetch = 0 : i64, scratch_operands = 2 : i64, tpu.core_type = #tpu.core_type<tc>, window_params = [{pipeline_mode = #tpu.pipeline_mode<synchronous>, transform_indices = @transform_0, window_bounds = array<i64: 4096, 128>}, {transform_indices = @transform_1, window_bounds = array<i64: 16, 1, 64, 2048>}]} {
    %eq3A = arith.constant 0 : i32
    %eq3A_0 = arith.cmpi eq, %arg0, %eq3A : i32
    %convert_element_type3A = arith.extui %eq3A_0 : i1 to i32
    %cond3A = arith.constant 0 : i32
    %cond3A_1 = arith.cmpi ne, %convert_element_type3A, %cond3A : i32
    scf.if %cond3A_1 {
      %get3A_169 = arith.constant 0 : index
      %get3A_170 = arith.constant 0 : index
      %get3A_171 = vector.load %arg1[%get3A_169, %get3A_170] : memref<4096x128xf32, #tpu.memory_space<vmem>>, vector<4096x64xf32>
      %transpose3A = tpu.transpose %get3A_171, [1, 0] : vector<4096x64xf32> -> vector<64x4096xf32>
      %swap3A_172 = arith.constant 0 : index
      %swap3A_173 = arith.constant 0 : index
      %swap3A_174 = vector.load %arg3[%swap3A_172, %swap3A_173] : memref<64x4096xf32, #tpu.memory_space<vmem>>, vector<64x4096xf32>
      tpu.vector_store %arg3[%swap3A_172, %swap3A_173], %transpose3A {strides = array<i32>} : memref<64x4096xf32, #tpu.memory_space<vmem>>, vector<64x4096xf32>,
    } else {
    }
    %sub3A = arith.constant 127 : i32
    %sub3A_2 = arith.subi %sub3A, %arg0 : i32
    %get3A = arith.constant 0 : index
    %get3A_3 = arith.constant 0 : index
    %get3A_4 = vector.load %arg3[%get3A, %get3A_3] : memref<64x4096xf32, #tpu.memory_space<vmem>>, vector<64x4096xf32>
    %sub3A_5 = arith.constant 4096 : i32
    %sub3A_6 = arith.subi %sub3A_5, %sub3A_2 : i32
    %roll3A = tpu.dynamic_rotate %get3A_4 by %sub3A_6 dim 1 : vector<64x4096xf32>, i32 -> vector<64x4096xf32>
    %swap3A = arith.constant 0 : index
    %swap3A_7 = arith.constant 0 : index
    %swap3A_8 = vector.load %arg4[%swap3A, %swap3A_7] : memref<64x4096xf32, #tpu.memory_space<vmem>>, vector<64x4096xf32>
    tpu.vector_store %arg4[%swap3A, %swap3A_7], %roll3A {strides = array<i32>} : memref<64x4096xf32, #tpu.memory_space<vmem>>, vector<64x4096xf32>,
    %get3A_9 = arith.constant 0 : index
    %get3A_10 = arith.constant 1920 : index
    %get3A_11 = vector.load %arg4[%get3A_9, %get3A_10] : memref<64x4096xf32, #tpu.memory_space<vmem>>, vector<64x2048xf32>
    %swap3A_12 = arith.constant 0 : index
    %swap3A_13 = arith.constant 0 : index
    %swap3A_14 = arith.constant 0 : index
    %swap3A_15 = arith.constant 0 : index
    %swap3A_16 = vector.load %arg2[%swap3A_12, %swap3A_13, %swap3A_14, %swap3A_15] : memref<16x1x64x2048xf32, #tpu.memory_space<vmem>>, vector<1x1x64x2048xf32>
    %swap3A_17 = vector.shape_cast %swap3A_16 : vector<1x1x64x2048xf32> to vector<64x2048xf32>
    %swap3A_18 = vector.shape_cast %get3A_11 : vector<64x2048xf32> to vector<1x1x64x2048xf32>
    tpu.vector_store %arg2[%swap3A_12, %swap3A_13, %swap3A_14, %swap3A_15], %swap3A_18 {strides = array<i32>} : memref<16x1x64x2048xf32, #tpu.memory_space<vmem>>, vector<1x1x64x2048xf32>,
    %get3A_19 = arith.constant 0 : index
    %get3A_20 = arith.constant 1792 : index
    %get3A_21 = vector.load %arg4[%get3A_19, %get3A_20] : memref<64x4096xf32, #tpu.memory_space<vmem>>, vector<64x2048xf32>
    %swap3A_22 = arith.constant 1 : index
    %swap3A_23 = arith.constant 0 : index
    %swap3A_24 = arith.constant 0 : index
    %swap3A_25 = arith.constant 0 : index
    %swap3A_26 = vector.load %arg2[%swap3A_22, %swap3A_23, %swap3A_24, %swap3A_25] : memref<16x1x64x2048xf32, #tpu.memory_space<vmem>>, vector<1x1x64x2048xf32>
    %swap3A_27 = vector.shape_cast %swap3A_26 : vector<1x1x64x2048xf32> to vector<64x2048xf32>
    %swap3A_28 = vector.shape_cast %get3A_21 : vector<64x2048xf32> to vector<1x1x64x2048xf32>
    tpu.vector_store %arg2[%swap3A_22, %swap3A_23, %swap3A_24, %swap3A_25], %swap3A_28 {strides = array<i32>} : memref<16x1x64x2048xf32, #tpu.memory_space<vmem>>, vector<1x1x64x2048xf32>,
    %get3A_29 = arith.constant 0 : index
    %get3A_30 = arith.constant 1664 : index
    %get3A_31 = vector.load %arg4[%get3A_29, %get3A_30] : memref<64x4096xf32, #tpu.memory_space<vmem>>, vector<64x2048xf32>
    %swap3A_32 = arith.constant 2 : index
    %swap3A_33 = arith.constant 0 : index
    %swap3A_34 = arith.constant 0 : index
    %swap3A_35 = arith.constant 0 : index
    %swap3A_36 = vector.load %arg2[%swap3A_32, %swap3A_33, %swap3A_34, %swap3A_35] : memref<16x1x64x2048xf32, #tpu.memory_space<vmem>>, vector<1x1x64x2048xf32>
    %swap3A_37 = vector.shape_cast %swap3A_36 : vector<1x1x64x2048xf32> to vector<64x2048xf32>
    %swap3A_38 = vector.shape_cast %get3A_31 : vector<64x2048xf32> to vector<1x1x64x2048xf32>
    tpu.vector_store %arg2[%swap3A_32, %swap3A_33, %swap3A_34, %swap3A_35], %swap3A_38 {strides = array<i32>} : memref<16x1x64x2048xf32, #tpu.memory_space<vmem>>, vector<1x1x64x2048xf32>,
    %get3A_39 = arith.constant 0 : index
    %get3A_40 = arith.constant 1536 : index
    %get3A_41 = vector.load %arg4[%get3A_39, %get3A_40] : memref<64x4096xf32, #tpu.memory_space<vmem>>, vector<64x2048xf32>
    %swap3A_42 = arith.constant 3 : index
    %swap3A_43 = arith.constant 0 : index
    %swap3A_44 = arith.constant 0 : index
    %swap3A_45 = arith.constant 0 : index
    %swap3A_46 = vector.load %arg2[%swap3A_42, %swap3A_43, %swap3A_44, %swap3A_45] : memref<16x1x64x2048xf32, #tpu.memory_space<vmem>>, vector<1x1x64x2048xf32>
    %swap3A_47 = vector.shape_cast %swap3A_46 : vector<1x1x64x2048xf32> to vector<64x2048xf32>
    %swap3A_48 = vector.shape_cast %get3A_41 : vector<64x2048xf32> to vector<1x1x64x2048xf32>
    tpu.vector_store %arg2[%swap3A_42, %swap3A_43, %swap3A_44, %swap3A_45], %swap3A_48 {strides = array<i32>} : memref<16x1x64x2048xf32, #tpu.memory_space<vmem>>, vector<1x1x64x2048xf32>,
    %get3A_49 = arith.constant 0 : index
    %get3A_50 = arith.constant 1408 : index
    %get3A_51 = vector.load %arg4[%get3A_49, %get3A_50] : memref<64x4096xf32, #tpu.memory_space<vmem>>, vector<64x2048xf32>
    %swap3A_52 = arith.constant 4 : index
    %swap3A_53 = arith.constant 0 : index
    %swap3A_54 = arith.constant 0 : index
    %swap3A_55 = arith.constant 0 : index
    %swap3A_56 = vector.load %arg2[%swap3A_52, %swap3A_53, %swap3A_54, %swap3A_55] : memref<16x1x64x2048xf32, #tpu.memory_space<vmem>>, vector<1x1x64x2048xf32>
    %swap3A_57 = vector.shape_cast %swap3A_56 : vector<1x1x64x2048xf32> to vector<64x2048xf32>
    %swap3A_58 = vector.shape_cast %get3A_51 : vector<64x2048xf32> to vector<1x1x64x2048xf32>
    tpu.vector_store %arg2[%swap3A_52, %swap3A_53, %swap3A_54, %swap3A_55], %swap3A_58 {strides = array<i32>} : memref<16x1x64x2048xf32, #tpu.memory_space<vmem>>, vector<1x1x64x2048xf32>,
    %get3A_59 = arith.constant 0 : index
    %get3A_60 = arith.constant 1280 : index
    %get3A_61 = vector.load %arg4[%get3A_59, %get3A_60] : memref<64x4096xf32, #tpu.memory_space<vmem>>, vector<64x2048xf32>
    %swap3A_62 = arith.constant 5 : index
    %swap3A_63 = arith.constant 0 : index
    %swap3A_64 = arith.constant 0 : index
    %swap3A_65 = arith.constant 0 : index
    %swap3A_66 = vector.load %arg2[%swap3A_62, %swap3A_63, %swap3A_64, %swap3A_65] : memref<16x1x64x2048xf32, #tpu.memory_space<vmem>>, vector<1x1x64x2048xf32>
    %swap3A_67 = vector.shape_cast %swap3A_66 : vector<1x1x64x2048xf32> to vector<64x2048xf32>
    %swap3A_68 = vector.shape_cast %get3A_61 : vector<64x2048xf32> to vector<1x1x64x2048xf32>
    tpu.vector_store %arg2[%swap3A_62, %swap3A_63, %swap3A_64, %swap3A_65], %swap3A_68 {strides = array<i32>} : memref<16x1x64x2048xf32, #tpu.memory_space<vmem>>, vector<1x1x64x2048xf32>,
    %get3A_69 = arith.constant 0 : index
    %get3A_70 = arith.constant 1152 : index
    %get3A_71 = vector.load %arg4[%get3A_69, %get3A_70] : memref<64x4096xf32, #tpu.memory_space<vmem>>, vector<64x2048xf32>
    %swap3A_72 = arith.constant 6 : index
    %swap3A_73 = arith.constant 0 : index
    %swap3A_74 = arith.constant 0 : index
    %swap3A_75 = arith.constant 0 : index
    %swap3A_76 = vector.load %arg2[%swap3A_72, %swap3A_73, %swap3A_74, %swap3A_75] : memref<16x1x64x2048xf32, #tpu.memory_space<vmem>>, vector<1x1x64x2048xf32>
    %swap3A_77 = vector.shape_cast %swap3A_76 : vector<1x1x64x2048xf32> to vector<64x2048xf32>
    %swap3A_78 = vector.shape_cast %get3A_71 : vector<64x2048xf32> to vector<1x1x64x2048xf32>
    tpu.vector_store %arg2[%swap3A_72, %swap3A_73, %swap3A_74, %swap3A_75], %swap3A_78 {strides = array<i32>} : memref<16x1x64x2048xf32, #tpu.memory_space<vmem>>, vector<1x1x64x2048xf32>,
    %get3A_79 = arith.constant 0 : index
    %get3A_80 = arith.constant 1024 : index
    %get3A_81 = vector.load %arg4[%get3A_79, %get3A_80] : memref<64x4096xf32, #tpu.memory_space<vmem>>, vector<64x2048xf32>
    %swap3A_82 = arith.constant 7 : index
    %swap3A_83 = arith.constant 0 : index
    %swap3A_84 = arith.constant 0 : index
    %swap3A_85 = arith.constant 0 : index
    %swap3A_86 = vector.load %arg2[%swap3A_82, %swap3A_83, %swap3A_84, %swap3A_85] : memref<16x1x64x2048xf32, #tpu.memory_space<vmem>>, vector<1x1x64x2048xf32>
    %swap3A_87 = vector.shape_cast %swap3A_86 : vector<1x1x64x2048xf32> to vector<64x2048xf32>
    %swap3A_88 = vector.shape_cast %get3A_81 : vector<64x2048xf32> to vector<1x1x64x2048xf32>
    tpu.vector_store %arg2[%swap3A_82, %swap3A_83, %swap3A_84, %swap3A_85], %swap3A_88 {strides = array<i32>} : memref<16x1x64x2048xf32, #tpu.memory_space<vmem>>, vector<1x1x64x2048xf32>,
    %get3A_89 = arith.constant 0 : index
    %get3A_90 = arith.constant 896 : index
    %get3A_91 = vector.load %arg4[%get3A_89, %get3A_90] : memref<64x4096xf32, #tpu.memory_space<vmem>>, vector<64x2048xf32>
    %swap3A_92 = arith.constant 8 : index
    %swap3A_93 = arith.constant 0 : index
    %swap3A_94 = arith.constant 0 : index
    %swap3A_95 = arith.constant 0 : index
    %swap3A_96 = vector.load %arg2[%swap3A_92, %swap3A_93, %swap3A_94, %swap3A_95] : memref<16x1x64x2048xf32, #tpu.memory_space<vmem>>, vector<1x1x64x2048xf32>
    %swap3A_97 = vector.shape_cast %swap3A_96 : vector<1x1x64x2048xf32> to vector<64x2048xf32>
    %swap3A_98 = vector.shape_cast %get3A_91 : vector<64x2048xf32> to vector<1x1x64x2048xf32>
    tpu.vector_store %arg2[%swap3A_92, %swap3A_93, %swap3A_94, %swap3A_95], %swap3A_98 {strides = array<i32>} : memref<16x1x64x2048xf32, #tpu.memory_space<vmem>>, vector<1x1x64x2048xf32>,
    %get3A_99 = arith.constant 0 : index
    %get3A_100 = arith.constant 768 : index
    %get3A_101 = vector.load %arg4[%get3A_99, %get3A_100] : memref<64x4096xf32, #tpu.memory_space<vmem>>, vector<64x2048xf32>
    %swap3A_102 = arith.constant 9 : index
    %swap3A_103 = arith.constant 0 : index
    %swap3A_104 = arith.constant 0 : index
    %swap3A_105 = arith.constant 0 : index
    %swap3A_106 = vector.load %arg2[%swap3A_102, %swap3A_103, %swap3A_104, %swap3A_105] : memref<16x1x64x2048xf32, #tpu.memory_space<vmem>>, vector<1x1x64x2048xf32>
    %swap3A_107 = vector.shape_cast %swap3A_106 : vector<1x1x64x2048xf32> to vector<64x2048xf32>
    %swap3A_108 = vector.shape_cast %get3A_101 : vector<64x2048xf32> to vector<1x1x64x2048xf32>
    tpu.vector_store %arg2[%swap3A_102, %swap3A_103, %swap3A_104, %swap3A_105], %swap3A_108 {strides = array<i32>} : memref<16x1x64x2048xf32, #tpu.memory_space<vmem>>, vector<1x1x64x2048xf32>,
    %get3A_109 = arith.constant 0 : index
    %get3A_110 = arith.constant 640 : index
    %get3A_111 = vector.load %arg4[%get3A_109, %get3A_110] : memref<64x4096xf32, #tpu.memory_space<vmem>>, vector<64x2048xf32>
    %swap3A_112 = arith.constant 10 : index
    %swap3A_113 = arith.constant 0 : index
    %swap3A_114 = arith.constant 0 : index
    %swap3A_115 = arith.constant 0 : index
    %swap3A_116 = vector.load %arg2[%swap3A_112, %swap3A_113, %swap3A_114, %swap3A_115] : memref<16x1x64x2048xf32, #tpu.memory_space<vmem>>, vector<1x1x64x2048xf32>
    %swap3A_117 = vector.shape_cast %swap3A_116 : vector<1x1x64x2048xf32> to vector<64x2048xf32>
    %swap3A_118 = vector.shape_cast %get3A_111 : vector<64x2048xf32> to vector<1x1x64x2048xf32>
    tpu.vector_store %arg2[%swap3A_112, %swap3A_113, %swap3A_114, %swap3A_115], %swap3A_118 {strides = array<i32>} : memref<16x1x64x2048xf32, #tpu.memory_space<vmem>>, vector<1x1x64x2048xf32>,
    %get3A_119 = arith.constant 0 : index
    %get3A_120 = arith.constant 512 : index
    %get3A_121 = vector.load %arg4[%get3A_119, %get3A_120] : memref<64x4096xf32, #tpu.memory_space<vmem>>, vector<64x2048xf32>
    %swap3A_122 = arith.constant 11 : index
    %swap3A_123 = arith.constant 0 : index
    %swap3A_124 = arith.constant 0 : index
    %swap3A_125 = arith.constant 0 : index
    %swap3A_126 = vector.load %arg2[%swap3A_122, %swap3A_123, %swap3A_124, %swap3A_125] : memref<16x1x64x2048xf32, #tpu.memory_space<vmem>>, vector<1x1x64x2048xf32>
    %swap3A_127 = vector.shape_cast %swap3A_126 : vector<1x1x64x2048xf32> to vector<64x2048xf32>
    %swap3A_128 = vector.shape_cast %get3A_121 : vector<64x2048xf32> to vector<1x1x64x2048xf32>
    tpu.vector_store %arg2[%swap3A_122, %swap3A_123, %swap3A_124, %swap3A_125], %swap3A_128 {strides = array<i32>} : memref<16x1x64x2048xf32, #tpu.memory_space<vmem>>, vector<1x1x64x2048xf32>,
    %get3A_129 = arith.constant 0 : index
    %get3A_130 = arith.constant 384 : index
    %get3A_131 = vector.load %arg4[%get3A_129, %get3A_130] : memref<64x4096xf32, #tpu.memory_space<vmem>>, vector<64x2048xf32>
    %swap3A_132 = arith.constant 12 : index
    %swap3A_133 = arith.constant 0 : index
    %swap3A_134 = arith.constant 0 : index
    %swap3A_135 = arith.constant 0 : index
    %swap3A_136 = vector.load %arg2[%swap3A_132, %swap3A_133, %swap3A_134, %swap3A_135] : memref<16x1x64x2048xf32, #tpu.memory_space<vmem>>, vector<1x1x64x2048xf32>
    %swap3A_137 = vector.shape_cast %swap3A_136 : vector<1x1x64x2048xf32> to vector<64x2048xf32>
    %swap3A_138 = vector.shape_cast %get3A_131 : vector<64x2048xf32> to vector<1x1x64x2048xf32>
    tpu.vector_store %arg2[%swap3A_132, %swap3A_133, %swap3A_134, %swap3A_135], %swap3A_138 {strides = array<i32>} : memref<16x1x64x2048xf32, #tpu.memory_space<vmem>>, vector<1x1x64x2048xf32>,
    %get3A_139 = arith.constant 0 : index
    %get3A_140 = arith.constant 256 : index
    %get3A_141 = vector.load %arg4[%get3A_139, %get3A_140] : memref<64x4096xf32, #tpu.memory_space<vmem>>, vector<64x2048xf32>
    %swap3A_142 = arith.constant 13 : index
    %swap3A_143 = arith.constant 0 : index
    %swap3A_144 = arith.constant 0 : index
    %swap3A_145 = arith.constant 0 : index
    %swap3A_146 = vector.load %arg2[%swap3A_142, %swap3A_143, %swap3A_144, %swap3A_145] : memref<16x1x64x2048xf32, #tpu.memory_space<vmem>>, vector<1x1x64x2048xf32>
    %swap3A_147 = vector.shape_cast %swap3A_146 : vector<1x1x64x2048xf32> to vector<64x2048xf32>
    %swap3A_148 = vector.shape_cast %get3A_141 : vector<64x2048xf32> to vector<1x1x64x2048xf32>
    tpu.vector_store %arg2[%swap3A_142, %swap3A_143, %swap3A_144, %swap3A_145], %swap3A_148 {strides = array<i32>} : memref<16x1x64x2048xf32, #tpu.memory_space<vmem>>, vector<1x1x64x2048xf32>,
    %get3A_149 = arith.constant 0 : index
    %get3A_150 = arith.constant 128 : index
    %get3A_151 = vector.load %arg4[%get3A_149, %get3A_150] : memref<64x4096xf32, #tpu.memory_space<vmem>>, vector<64x2048xf32>
    %swap3A_152 = arith.constant 14 : index
    %swap3A_153 = arith.constant 0 : index
    %swap3A_154 = arith.constant 0 : index
    %swap3A_155 = arith.constant 0 : index
    %swap3A_156 = vector.load %arg2[%swap3A_152, %swap3A_153, %swap3A_154, %swap3A_155] : memref<16x1x64x2048xf32, #tpu.memory_space<vmem>>, vector<1x1x64x2048xf32>
    %swap3A_157 = vector.shape_cast %swap3A_156 : vector<1x1x64x2048xf32> to vector<64x2048xf32>
    %swap3A_158 = vector.shape_cast %get3A_151 : vector<64x2048xf32> to vector<1x1x64x2048xf32>
    tpu.vector_store %arg2[%swap3A_152, %swap3A_153, %swap3A_154, %swap3A_155], %swap3A_158 {strides = array<i32>} : memref<16x1x64x2048xf32, #tpu.memory_space<vmem>>, vector<1x1x64x2048xf32>,
    %get3A_159 = arith.constant 0 : index
    %get3A_160 = arith.constant 0 : index
    %get3A_161 = vector.load %arg4[%get3A_159, %get3A_160] : memref<64x4096xf32, #tpu.memory_space<vmem>>, vector<64x2048xf32>
    %swap3A_162 = arith.constant 15 : index
    %swap3A_163 = arith.constant 0 : index
    %swap3A_164 = arith.constant 0 : index
    %swap3A_165 = arith.constant 0 : index
    %swap3A_166 = vector.load %arg2[%swap3A_162, %swap3A_163, %swap3A_164, %swap3A_165] : memref<16x1x64x2048xf32, #tpu.memory_space<vmem>>, vector<1x1x64x2048xf32>
    %swap3A_167 = vector.shape_cast %swap3A_166 : vector<1x1x64x2048xf32> to vector<64x2048xf32>
    %swap3A_168 = vector.shape_cast %get3A_161 : vector<64x2048xf32> to vector<1x1x64x2048xf32>
    tpu.vector_store %arg2[%swap3A_162, %swap3A_163, %swap3A_164, %swap3A_165], %swap3A_168 {strides = array<i32>} : memref<16x1x64x2048xf32, #tpu.memory_space<vmem>>, vector<1x1x64x2048xf32>,
    return
  }
  func.func @transform_0(%arg0: i32) -> (i32, i32) {
    %c0_i32 = arith.constant 0 : i32
    %c0_i32_0 = arith.constant 0 : i32
    %c0_i32_1 = arith.constant 0 : i32
    return %c0_i32, %c0_i32_0 : i32, i32
  }
  func.func @transform_1(%arg0: i32) -> (i32, i32, i32, i32) {
    %c0_i32 = arith.constant 0 : i32
    %c0_i32_0 = arith.constant 0 : i32
    %c0_i32_1 = arith.constant 0 : i32
    %c0_i32_2 = arith.constant 0 : i32
    return %c0_i32, %arg0, %c0_i32_0, %c0_i32_1 : i32, i32, i32, i32
  }
}

</mosaic_0001>

<sc_bundles>
// kernel: kernel.4.cloned.1.call-start
scs
__scs_entry_jumppad:
0x0: {  	(pc) =	sbr.rel $0x88, $3  }
0x1: {  	(tag) =	ssettag $0x0;
	lr =	simm.s32 $0x1  }
0x2: {  	[smem:$0x3FA0] =	sst lr;
	_ =	strace $0xD0000000  }
0x3: {  	_ = 	snop  }
0x4: {  	_ = 	snop  }
0x5: {  	_ = 	snop  }
0x6: {  	_ = 	snop  }
0x7: {  	_ = 	snop  }
__scs_overlays_trampoline_lowered:
0x8: {  	[smem:$0x3FAF] =	sst s0  }
0x9: {  	[smem:$0x3FB0] =	sst s1  }
0xa: {  	[smem:$0x3FB1] =	sst s2  }
0xb: {  	[smem:$0x3FB2] =	sst s3  }
0xc: {  	[smem:$0x3FB3] =	sst s4  }
0xd: {  	[smem:$0x3FB4] =	sst s5  }
0xe: {  	[smem:$0x3FB5] =	sst s6  }
0xf: {  	[smem:$0x3FB6] =	sst s7  }
0x10: {  	[smem:$0x3FB7] =	sst s8  }
0x11: {  	[smem:$0x3FB8] =	sst s9;
	s0 =	simm.s32 @!p0 $0x0  }
0x12: {  	s1 =	sld [smem:$0x3F9E];
	s0 =	simm.s32 @p0 $0x1  }
0x13: {  	[smem:$0x3FB9] =	sst s0;
	s0 =	simm.s32 @!p1 $0x0  }
0x14: {  	s2 =	sld [smem:$0x3F9D];
	s0 =	simm.s32 @p1 $0x1  }
0x15: {  	[smem:$0x3FBA] =	sst s0;
	s0 =	simm.s32 @!p2 $0x0  }
0x16: {  	s3 =	sld [smem:$0x3FDB];
	s0 =	simm.s32 @p2 $0x1  }
0x17: {  	s4 =	simm.s32 $0x1BF5;
	[smem:$0x3FBC] =	sst s0  }
0x18: {  	s0 =	sld [smem:$0x3F9F];
	_ =	swait.ge [sflag:s4], $0x0  }
0x19: {  	s7 =	sld [smem:$0x3FA0]  }
0x1a: {  	s8 =	sadd.s32 $0xFFFFE003, lr  }
0x1b: {  	s9 =	sadd.s32 $0xFFFFFEF7, lr;
	s5 =	simm.s32 $0xFFFFFFFF;
	p2 =	slt.u32 s8, $0xFFFFF086  }
0x1c: {  	p1 =	slt.u32 s9, $0xF7A;
	s5 =	simm.s32 @!p2 $0x0  }
0x1d: {  	s5 =	simm.s32 @p1 $0x1;
	p0 =	seq.s32 s7, s2  }
0x1e: {  	s7 =	smul.u32 @!p0 $0xF7A, s2;
	p2 =	seq.s32 @!p0 s5, $0x0  }
0x1f: {  	s9 =	smul.u32 $0xF7A, s1;
	s8 =	simm.s32 @!p0 $0x1BF5;
	p2 =	por !p2, p0  }
0x20: {  	[sflag:s8] =	ssyncset.s32 @!p0 $0xFFFFF086;
	s6 =	sadd.s32 @!p0 s3, s7;
	s7 =	simm.s32 @!p0 $0x108  }
0x21: {  	s3 =	sadd.s32 s3, s9;
	s6 =	sadd.s32 @!p0 $0x88, s6;
	s7 =	simm.s32 @p2 $0x1082  }
0x22: {  	[simem:s7], [sflag:s8] =	dma.local @!p0 [hbm:s6], $0xF7A  }
0x23: {  	s9 =	sor.u32 $0xD0000000, s2;
	s6 =	simm.s32 $0x108;
	_ =	swait.ge @!p0 [sflag:s8], $0x0  }
0x24: {  	s3 =	sadd.s32 $0x88, s3;
	s6 =	simm.s32 @!p1 $0x1082;
	[sflag:s4] =	ssyncset.s32 $0xFFFFF086  }
0x25: {  	[simem:s6], [sflag:s4] =	dma.local [hbm:s3], $0xF7A  }
0x26: {  	[smem:$0x3FA0] =	sst s1;
	(tag) =	ssettag s2;
	_ =	strace s9  }
0x27: {  	s1 =	sld [smem:$0x3FB0]  }
0x28: {  	s2 =	sld [smem:$0x3FB1]  }
0x29: {  	s4 =	sld [smem:$0x3FB3]  }
0x2a: {  	p0 =	seq.s32 s5, $0x0;
	s5 =	sld [smem:$0x3FB4]  }
0x2b: {  	s6 =	sld [smem:$0x3FB5]  }
0x2c: {  	s7 =	sld [smem:$0x3FB6]  }
0x2d: {  	s3 =	simm.s32 $0x108;
	s8 =	sld [smem:$0x3FB7]  }
0x2e: {  	s3 =	simm.s32 @!p0 $0x1082;
	s9 =	sld [smem:$0x3FB8]  }
0x2f: {  	lr =	sadd.s32 s0, s3;
	s0 =	sld [smem:$0x3FAF]  }
0x30: {  	s3 =	sld [smem:$0x3FB2]  }
0x31: {  	[smem:$0x3FBB] =	sst s10  }
0x32: {  	s10 =	sld [smem:$0x3FB9];
	_ =	sdelay $0x3  }
0x33: {  	p0 =	seq.s32 s10, $0x1;
	s10 =	sld [smem:$0x3FBB];
	_ =	sdelay $0x3  }
0x34: {  	[smem:$0x3FBB] =	sst s10  }
0x35: {  	s10 =	sld [smem:$0x3FBA];
	_ =	sdelay $0x3  }
0x36: {  	p1 =	seq.s32 s10, $0x1;
	s10 =	sld [smem:$0x3FBB];
	_ =	sdelay $0x3  }
0x37: {  	[smem:$0x3FBB] =	sst s10  }
0x38: {  	s10 =	sld [smem:$0x3FBC]  }
0x39: {  	_ = 	snop;
	(pc) =	sbr.ind lr, $3  }
0x3a: {  	_ = 	snop  }
0x3b: {  	_ = 	snop  }
0x3c: {  	p2 =	seq.s32 s10, $0x1;
	s10 =	sld [smem:$0x3FBB]  }
0x3d: {  	_ =	shalt  }
0x3e: {  	_ =	shalt  }
0x3f: {  	_ =	shalt  }
0x40: {  	_ =	shalt  }
0x41: {  	_ =	shalt  }
0x42: {  	_ =	shalt  }
0x43: {  	_ =	shalt  }
0x44: {  	_ =	shalt  }
0x45: {  	_ =	shalt  }
0x46: {  	_ =	shalt  }
0x47: {  	_ =	shalt  }
0x48: {  	_ =	shalt  }
0x49: {  	_ =	shalt  }
0x4a: {  	_ =	shalt  }
0x4b: {  	_ =	shalt  }
0x4c: {  	_ =	shalt  }
0x4d: {  	_ =	shalt  }
0x4e: {  	_ =	shalt  }
0x4f: {  	_ =	shalt  }
0x50: {  	_ =	shalt  }
0x51: {  	_ =	shalt  }
0x52: {  	_ =	shalt  }
0x53: {  	_ =	shalt  }
0x54: {  	_ =	shalt  }
0x55: {  	_ =	shalt  }
0x56: {  	_ =	shalt  }
0x57: {  	_ =	shalt  }
0x58: {  	_ =	shalt  }
0x59: {  	_ =	shalt  }
0x5a: {  	_ =	shalt  }
0x5b: {  	_ =	shalt  }
0x5c: {  	_ =	shalt  }
0x5d: {  	_ =	shalt  }
0x5e: {  	_ =	shalt  }
0x5f: {  	_ =	shalt  }
0x60: {  	_ =	shalt  }
0x61: {  	_ =	shalt  }
0x62: {  	_ =	shalt  }
0x63: {  	_ =	shalt  }
0x64: {  	_ =	shalt  }
0x65: {  	_ =	shalt  }
0x66: {  	_ =	shalt  }
0x67: {  	_ =	shalt  }
0x68: {  	_ =	shalt  }
0x69: {  	_ =	shalt  }
0x6a: {  	_ =	shalt  }
0x6b: {  	_ =	shalt  }
0x6c: {  	_ =	shalt  }
0x6d: {  	_ =	shalt  }
0x6e: {  	_ =	shalt  }
0x6f: {  	_ =	shalt  }
0x70: {  	_ =	shalt  }
0x71: {  	_ =	shalt  }
0x72: {  	_ =	shalt  }
0x73: {  	_ =	shalt  }
0x74: {  	_ =	shalt  }
0x75: {  	_ =	shalt  }
0x76: {  	_ =	shalt  }
0x77: {  	_ =	shalt  }
0x78: {  	_ =	shalt  }
0x79: {  	_ =	shalt  }
0x7a: {  	_ =	shalt  }
0x7b: {  	_ =	shalt  }
0x7c: {  	_ =	shalt  }
0x7d: {  	_ =	shalt  }
0x7e: {  	_ =	shalt  }
0x7f: {  	_ =	shalt  }
0x80: {  	_ =	shalt  }
0x81: {  	_ =	shalt  }
0x82: {  	_ =	shalt  }
0x83: {  	_ =	shalt  }
0x84: {  	_ =	shalt  }
0x85: {  	_ =	shalt  }
0x86: {  	_ =	shalt  }
0x87: {  	_ =	shalt  }
.Lfunc_end0:
.L_simem_size_0:
called_computation_lowered:
.L_overlay_start_0:
0x88: {  	s2 =	sld [smem:$0x3FD9]  }
0x89: {  	s3 =	sld [smem:$0x3FFE];
	_ =	sdelay $0x1  }
0x8a: {  	s1 =	srdreg.scid  }
0x8b: {  	s0 =	sand.u32 $0x1, s1  }
0x8c: {  	s17 =	sshll.u32 s0, $0xA;
	s2 =	sadd.s32 s3, s2  }
0x8d: {  	s2 =	sadd.s32 s2, s17  }
0x8e: {  	[smem:$0x3FC7] =	sst s2  }
0x8f: {  	_ = 	snop  }
0x90: {  	s2 =	sld [smem:$0x3FD0];
	(tm) =	ssettm $0x1  }
0x91: {  	s18 =	sld [smem:$0x3FFB];
	_ =	sdelay $0x3  }
0x92: {  	_ =	strace s18  }
0x93: {  	s3 =	sld [smem:$0x3FFC];
	_ =	sdelay $0x3  }
0x94: {  	_ =	strace s3  }
0x95: {  	s3 =	sld [smem:$0x3FFD];
	_ =	sdelay $0x3  }
0x96: {  	_ =	strace s3  }
0x97: {  	_ =	strace $0x8FFFFFFF  }
0x98: {  	s19 =	sld [smem:$0x3FDB];
	_ =	sdelay $0x1  }
0x99: {  	s4 =	simm.s32 $_scs_section_size  }
0x9a: {  	s5 =	simm.s32 $_size__tile_overlayer_lowered;
	s6 =	simm.s32 $_tile_overlayer_lowered  }
0x9b: {  	s22 =	simm.s32 $0x1BFF;
	s21 =	sshll.u32 s6, $0x1;
	s3 =	sadd.s32 s4, s19  }
0x9c: {  	s7 =	simm.s32 $0x0;
	s20 =	sshll.u32 s5, $0x1;
	s5 =	sadd.s32 s21, s3  }
0x9d: {  	[timem:s7], [sflag:s22] =	dma.local [hbm:s5], s20  }
0x9e: {  	_ =	swait.ge [sflag:s22], s20  }
0x9f: {  	s4 =	ssub.s32 $0x0, s20;
	[sflag:s22] =	ssyncset.done $0x0  }
0xa0: {  	[sflag:s22] =	ssyncadd.s32 s4;
	_ =	sdelay $0x1  }
0xa1: {  	s23 =	simm.s32 $0x1B8B  }
0xa2: {  	_ =	swait.ge [sflag:s23], $0x1  }
0xa3: {  	[sflag:s23] =	ssyncset.done $0x0  }
0xa4: {  	s25 =	simm.s32 $0x1B8E;
	s24 =	sld [smem:$0x3FFE];
	[sflag:s23] =	ssyncadd.s32 $0xFFFFFFFF  }
0xa5: {  	s26 =	simm.s32 $execute0_lowered;
	[smem:$0x3FD2] =	sst s25  }
0xa6: {  	s5 =	sshll.u32 s26, $0x1;
	_ =	strace $0x80000046;
	[dreg:$0x1] =	wrdreg $0xFFFFFFFF  }
0xa7: {  	s28 =	simm.s32 $_size_execute0_lowered;
	s3 =	sadd.s32 s3, s5;
	[dreg:$0x0] =	wrdreg $0x0  }
0xa8: {  	s5 =	sshll.u32 s28, $0x1;
	[dreg:$0x2] =	wrdreg s3  }
0xa9: {  	[dreg:$0x3] =	wrdreg s5  }
0xaa: {  	[dreg:$0x4] =	wrdreg $0xC0  }
0xab: {  	_ =	task [dreg:s7], $0x5FFFF  }
0xac: {  	[dreg:$0x1] =	wrdreg $0xFFFFFFFF  }
0xad: {  	[dreg:$0x0] =	wrdreg $0x60  }
0xae: {  	[dreg:$0x2] =	wrdreg s24  }
0xaf: {  	[dreg:$0x3] =	wrdreg s2  }
0xb0: {  	[dreg:$0x4] =	wrdreg $0x9  }
0xb1: {  	_ =	task.clear_ibuf [dreg:s7], $0x5FFFF;
	_ =	strace $0x90000046  }
0xb2: {  	s29 =	simm.s32 $0x9;
	_ =	strace $0x80000048  }
0xb3: {  	_ =	swait.ge [sflag:s29], $0x1  }
0xb4: {  	[sflag:s29] =	ssyncadd.s32 $0xFFFFFFFF  }
0xb5: {  	_ =	strace $0x90000048  }
0xb6: {  	_ =	sfence  }
0xb7: {  	s30 =	sld [smem:$0x0];
	_ =	sdelay $0x2  }
0xb8: {  	s31 =	sshll.u32 s1, $0xD;
	s1 =	sshrl.u32 s1, $0x2  }
0xb9: {  	s3 =	sand.u32 $0x4000, s31;
	s1 =	sadd.s32 s1, s30  }
0xba: {  	s0 =	sor.u32 s3, s0;
	s1 =	sshll.u32 s1, $0x11  }
0xbb: {  	s0 =	sor.u32 s1, s0  }
0xbc: {  	s0 =	sadd.s32 $0x8F2B, s0  }
0xbd: {  	[sflag:s0] =	ssyncadd.remote.s32 $0x1  }
0xbe: {  	_ =	sfence.sel $0xFFFF  }
0xbf: {  	[dreg:$0x0] =	wrdreg $0xFFFFFFFF;
	(pc) =	sbr.abs _section_cstart, $3  }
0xc0: {  	[dreg:$0x1] =	wrdreg $0xFFFFFFFF  }
0xc1: {  	_ =	task.clear_ibuf [dreg:s7], $0x2FFFF;
	_ =	strace $0x9FFFFFFF  }
0xc2: {  	(tm) =	ssettm $0x7FFFFFFF  }
0xc3: {  	_ =	shalt  }
tec
execute0_lowered:
.L_overlay_start_1:
0x0: {  	(tag) =	ssettag $0x1  }
0x1: {  	s1 =	srdreg.scid  }
0x2: {  	s0 =	stileid.u32;
	v0 =	vlaneseq.u32;
	s4 =	sand.u32 $0x1, s1  }
0x3: {  	s25 =	sshll.u32 s0, $0x8;
	v0 =	vmul.u32 $0xFFFFFFFF, v0;
	s2 =	sshll.u32 s4, $0x7  }
0x4: {  	s3 =	sor.u32 s2, s25  }
0x5: {  	v3 =	vadd.s32 $0x87F, v0;
	v1 =	vmov s3;
	s1 =	sor.u32 $0x20, s3  }
0x6: {  	s28 =	sor.u32 $0x40, s3;
	s6 =	sor.u32 $0x10, s3;
	s8 =	sor.u32 $0x50, s3;
	v0 =	vsub.s32 v3, v1;
	v1 =	vmov s1  }
0x7: {  	s9 =	sor.u32 $0x60, s3;
	v2 =	vmov s28;
	v5 =	vmov s6;
	v7 =	vmov s8  }
0x8: {  	s29 =	sor.u32 $0x70, s3;
	v8 =	vmov s9;
	vm0 =	vgt.s32 v0, $0x0;
	v2 =	vsub.s32 v3, v2  }
0x9: {  	v6 =	vsub.s32 v3, v5;
	v5 =	vmov s29;
	v7 =	vsub.s32 v3, v7  }
0xa: {  	s26 =	sor.u32 $0x30, s3;
	v8 =	vsub.s32 v3, v8;
	v4 =	vnsel vm0, $0x0, v0;
	v0 =	vsub.s32 v3, v1  }
0xb: {  	v1 =	vmov s26;
	vm11 =	vgt.s32 v2, $0x0;
	v5 =	vsub.s32 v3, v5  }
0xc: {  	s5 =	rddreg [dreg:$0x0];
	vm13 =	vgt.s32 v8, $0x0;
	vm14 =	vgt.s32 v7, $0x0;
	vm15 =	vgt.s32 v6, $0x0  }
0xd: {  	s7 =	rddreg [dreg:$0x1];
	s2 =	simm.s32 $0x0;
	vm9 =	vgt.s32 v0, $0x0;
	v1 =	vsub.s32 v3, v1;
	v2 =	vnsel vm11, $0x0, v2  }
0xe: {  	[smem:$0x7FF] =	sst s2;
	vm12 =	vgt.s32 v5, $0x0;
	v3 =	vmin.u32 v4, $0x100;
	v7 =	vnsel vm14, $0x0, v7  }
0xf: {  	s1 =	rddreg [dreg:$0x2];
	_ =	strace $0x80000047;
	v0 =	vnsel vm9, $0x0, v0;
	v2 =	vmin.u32 v2, $0x100;
	v4 =	vnsel vm12, $0x0, v5;
	[tilespmem:$0x0] =	vst v3  }
0x10: {  	v5 =	vnsel vm13, $0x0, v8;
	v8 =	vnsel vm15, $0x0, v6;
	v6 =	vmin.u32 v7, $0x100;
	[tilespmem:$0x40] =	vst v2  }
0x11: {  	v0 =	vmin.u32 v0, $0x100;
	[tilespmem:$0x50] =	vst v6  }
0x12: {  	v4 =	vmin.u32 v4, $0x100;
	[tilespmem:$0x20] =	vst v0  }
0x13: {  	s30 =	ssub.s32 $0x2, s4;
	vm10 =	vgt.s32 v1, $0x0;
	v5 =	vmin.u32 v5, $0x100;
	[tilespmem:$0x70] =	vst v4  }
0x14: {  	s31 =	sshrl.u32 s30, $0x1;
	v1 =	vnsel vm10, $0x0, v1;
	v7 =	vmin.u32 v8, $0x100;
	[tilespmem:$0x60] =	vst v5  }
0x15: {  	s5 =	sadd.s32 $0x200, s5;
	s8 =	ssub.s32 s30, s31;
	v1 =	vmin.u32 v1, $0x100;
	[tilespmem:$0x10] =	vst v7  }
0x16: {  	s4 =	simm.s32 $0x80;
	s6 =	simm.s32 $0x1;
	s8 =	smax.u32 s8, $0x1;
	[tilespmem:$0x30] =	vst v1  }
0x17: {  	[tilespmem:s4], [sflag:$0x1] =	stream.indirect.gather [hbm4b:s5+s4], $0x80, s2, s4, $0xb8;
	[tilespmem:$0x4080] =	vst v63  }
0x18: {  	p0 =	sne.s32 s8, $0x1;
	_ =	swait.ge [sflag:s6], $0x4000  }
.Ltmp0:
0x19: {  	s3 =	sshll.u32 s3, $0x4;
	[sflag:s6] =	ssyncset.done $0x0;
	(pc) =	sbr.rel @!p0 .LBB2_2-.Ltmp0, $4  }
0x1a: {  	s3 =	sadd.s32 s7, s3;
	s7 =	simm.s32 $0x2;
	[sflag:s6] =	ssyncadd.s32 $0xFFFFC000  }
0x1b: {  	[hbm4b:s3+s2] =	stream.linear.scatter [tilespmem:s4], [sflag:$0x2], $0x4000, $0x38;
	[tilespmem:$0x4080] =	vst v63  }
0x1c: {  	_ =	swait.ge [sflag:s7], $0x4000  }
0x1d: {  	s8 =	sadd.s32 $0xFFFFFFFF, s8;
	[sflag:s7] =	ssyncset.done $0x0  }
.LBB2_1:
0x1e: {  	p0 =	sne.s32 s8, $0x1;
	s8 =	sadd.s32 $0xFFFFFFFF, s8;
	[sflag:s7] =	ssyncadd.s32 $0xFFFFC000  }
0x1f: {  	[tilespmem:$0x20] =	vst v0  }
0x20: {  	[tilespmem:$0x30] =	vst v1  }
0x21: {  	[tilespmem:$0x40] =	vst v2  }
0x22: {  	[tilespmem:$0x0] =	vst v3  }
0x23: {  	[tilespmem:$0x70] =	vst v4  }
0x24: {  	[tilespmem:$0x60] =	vst v5  }
0x25: {  	[tilespmem:$0x50] =	vst v6  }
0x26: {  	[tilespmem:$0x10] =	vst v7  }
0x27: {  	[tilespmem:s4], [sflag:$0x1] =	stream.indirect.gather [hbm4b:s5+s4], $0x80, s2, s4, $0xb8;
	[tilespmem:$0x4080] =	vst v63  }
0x28: {  	_ =	swait.ge [sflag:s6], $0x4000  }
.Ltmp1:
0x29: {  	[sflag:s6] =	ssyncset.done $0x0;
	(pc) =	sbr.rel @p0 .LBB2_1-.Ltmp1, $4  }
0x2a: {  	[sflag:s6] =	ssyncadd.s32 $0xFFFFC000  }
0x2b: {  	[hbm4b:s3+s2] =	stream.linear.scatter [tilespmem:s4], [sflag:$0x2], $0x4000, $0x38;
	[tilespmem:$0x4080] =	vst v63  }
0x2c: {  	_ =	swait.ge [sflag:s7], $0x4000  }
0x2d: {  	[sflag:s7] =	ssyncset.done $0x0  }
.LBB2_2:
0x2e: {  	[sflag:s7] =	ssyncadd.s32 $0xFFFFC000  }
0x2f: {  	_ =	sfence.sel $0x180000  }
0x30: {  	[bflag:$0x0] =	sbarrier.arrive $0xFFFF  }
0x31: {  	p0 =	sne.s32 s0, $0x0;
	_ =	strace $0x90000047  }
0x32: {  	s0 =	sadd.s32 @!p0 $0x100000, s1;
	[bflag:$0x2] =	sbarrier.arrive $0xFFFF  }
0x33: {  	[sflag:s0] =	ssyncadd.tile.s32 @!p0 $0x1;
	_ =	shalt  }
.Lfunc_end2:
_tile_overlayer_lowered:
.L_overlay_start_2:
0x34: {  	(tag) =	ssettag $0x2  }
0x35: {  	s0 =	rddreg [dreg:$0x0];
	s2 =	stileid.u32  }
0x36: {  	s1 =	rddreg [dreg:$0x1];
	p0 =	sne.s32 s2, $0x0  }
0x37: {  	s3 =	rddreg [dreg:$0x2];
	[bflag:$0x3] =	sbarrier.arrive $0xFFFF;
	s2 =	simm.s32 @!p0 $0x1C02  }
0x38: {  	[timem:s3], [sflag:s2] =	dma.local @!p0 [hbm:s0], s1  }
0x39: {  	s0 =	simm.s32 @!p0 $0x2  }
0x3a: {  	_ =	swait.ge @!p0 [sflag:s0], s1  }
0x3b: {  	s1 =	ssub.s32 @!p0 $0x0, s1;
	[sflag:s0] =	ssyncset.done @!p0 $0x0  }
0x3c: {  	[sflag:s0] =	ssyncadd.s32 @!p0 s1  }
0x3d: {  	[bflag:$0x3] =	sbarrier.arrive $0xFFFF  }
0x3e: {  	_ =	shalt  }

</sc_bundles>
